<compile_context>
chip_gen: v7x
topology: tpu7x:2x2x1
jax: 0.10.2.dev20260603
libtpu: 0.0.44.dev20260713+nightly
codegen_flags: <defaults>
</compile_context>

<pallas_src>
import functools

import jax
import jax.numpy as jnp
from jax.experimental import pallas as pl
from jax.experimental.pallas import tpu as pltpu

_NEG_INF = float("-inf")
_K = 64
_NSLOT = 1024
_DEPTH = 98


def _cumsum_lanes(p):
    acc = p
    for sh in (1, 2, 4, 8, 16, 32):
        acc = acc + jnp.concatenate(
            [jnp.zeros((1, sh), jnp.float32), acc[:, :-sh]], axis=1
        )
    return acc


def _row_kernel(x_ref, t_ref, mp_ref, tp_ref, tk_ref, g_ref, o_ref, u_ref):
    temp = t_ref[0, 0, 0]
    min_p = mp_ref[0, 0, 0]
    top_p = tp_ref[0, 0, 0]
    top_k = tk_ref[0, 0, 0]

    x = x_ref[0] / temp
    m = jnp.max(x)
    u_ref[...] = jnp.exp(x - m)
    u = u_ref[...]
    s = jnp.sum(u)

    sm = jnp.max(u.reshape(8, 128, 128), axis=2)

    slot_iota = (
        jax.lax.broadcasted_iota(jnp.int32, (8, 128), 0) * 128
        + jax.lax.broadcasted_iota(jnp.int32, (8, 128), 1)
    )
    sub_iota = jax.lax.broadcasted_iota(jnp.int32, (8, 128), 0)
    lane_iota = jax.lax.broadcasted_iota(jnp.int32, (8, 128), 1)
    ar64 = jax.lax.broadcasted_iota(jnp.int32, (1, _K), 1)

    def body(j, carry):
        sm, vals, idxs = carry
        g = jnp.max(sm)
        fo = jnp.min(jnp.where(sm == g, slot_iota, 99999))
        base = (fo // 8) * 8
        tile = u_ref[pl.ds(base, 8), :]
        subsel = sub_iota == (fo - base)
        d = jnp.min(jnp.where((tile == g) & subsel, lane_iota, 999))
        tile2 = jnp.where(subsel & (lane_iota == d), -1.0, tile)
        u_ref[pl.ds(base, 8), :] = tile2
        ncol = jnp.max(jnp.where(subsel, tile2, -1.0))
        sm = jnp.where(slot_iota == fo, ncol, sm)
        vals = jnp.where(ar64 == j, g, vals)
        idxs = jnp.where(ar64 == j, fo * _DEPTH + d, idxs)
        return sm, vals, idxs

    init = (
        sm,
        jnp.full((1, _K), -1.0, jnp.float32),
        jnp.zeros((1, _K), jnp.int32),
    )
    _, vals, idxs = jax.lax.fori_loop(0, top_k, body, init)

    p = vals / s
    c = _cumsum_lanes(p)
    pk = jnp.where(ar64 >= top_k, 0.0, p)
    pk = jnp.where(c - pk > top_p, 0.0, pk)
    thr = jnp.max(jnp.where(ar64 == 0, pk, _NEG_INF)) * min_p
    pk = jnp.where(pk < thr, 0.0, pk)
    logp = jnp.where(pk > 0.0, jnp.log(pk), _NEG_INF)
    y = logp + g_ref[0]
    ymax = jnp.max(y)
    samp = jnp.min(jnp.where(y == ymax, ar64, _K))
    token = jnp.sum(jnp.where(ar64 == samp, idxs, 0))
    o_ref[0] = jnp.reshape(token, (1, 1))


@functools.partial(jax.jit, static_argnames=())
def kernel(logits, temperatures, min_ps, top_ps, top_ks):
    B, V = logits.shape
    vp = _NSLOT * _DEPTH
    xp = jnp.pad(logits, ((0, 0), (0, vp - V)), constant_values=-jnp.inf)
    xp = xp.reshape(B, _NSLOT, _DEPTH)
    xp = jnp.pad(xp, ((0, 0), (0, 0), (0, 128 - _DEPTH)), constant_values=-jnp.inf)

    gnoise = jax.random.gumbel(jax.random.key(42), (B, V), jnp.float32)[:, :_K]
    gnoise = gnoise.reshape(B, 1, _K)

    t2 = temperatures.reshape(B, 1, 1)
    mp2 = min_ps.reshape(B, 1, 1)
    tp2 = top_ps.reshape(B, 1, 1)
    tk2 = top_ks.reshape(B, 1, 1)

    out = pl.pallas_call(
        _row_kernel,
        grid=(B,),
        in_specs=[
            pl.BlockSpec((1, _NSLOT, 128), lambda r: (r, 0, 0)),
            pl.BlockSpec((1, 1, 1), lambda r: (r, 0, 0)),
            pl.BlockSpec((1, 1, 1), lambda r: (r, 0, 0)),
            pl.BlockSpec((1, 1, 1), lambda r: (r, 0, 0)),
            pl.BlockSpec((1, 1, 1), lambda r: (r, 0, 0)),
            pl.BlockSpec((1, 1, _K), lambda r: (r, 0, 0)),
        ],
        out_specs=pl.BlockSpec((1, 1, 1), lambda r: (r, 0, 0)),
        out_shape=jax.ShapeDtypeStruct((B, 1, 1), jnp.int32),
        scratch_shapes=[pltpu.VMEM((_NSLOT, 128), jnp.float32)],
    )(xp, t2, mp2, tp2, tk2, gnoise)
    return out.reshape(B)

# --- scband reference (transcript-rebuilt; emitter-appended) ---
"""Pipeline reference for scband-sampler-3006477107624 (READ-ONLY COPY).

The authoritative reference and input builder live on the scoring server;
editing this copy changes nothing except your own understanding.
"""

import jax, jax.numpy as jnp
import numpy as np

B, V = 128, 100000

def setup_inputs(seed: int = 0) -> dict:
    key = jax.random.key(seed)
    k1, k2, k3, k4, k5 = jax.random.split(key, 5)
    logits = jax.random.normal(k1, (B, V), dtype=jnp.float32)
    temperatures = jnp.ones((B,), dtype=jnp.float32)
    min_ps = jax.random.uniform(k3, (B,), dtype=jnp.float32)
    top_ps = jax.random.uniform(k4, (B,), dtype=jnp.float32)
    top_ks = jnp.maximum(jax.random.randint(k5, (B,), 0, 64), 1).astype(jnp.int32)
    return {"logits": logits, "temperatures": temperatures, "min_ps": min_ps, "top_ps": top_ps, "top_ks": top_ks}

def reference(logits, temperatures, min_ps, top_ps, top_ks):
    # temperature scaling + softmax (matches logits.div_(temperatures); softmax)
    probs = jax.nn.softmax(logits / temperatures[:, None], axis=-1)
    # descending sort
    sort_idx = jnp.argsort(-probs, axis=-1)
    probs_sort = jnp.take_along_axis(probs, sort_idx, axis=-1)
    # cumsum computed BEFORE any masking (matches torch in-place order)
    probs_sum = jnp.cumsum(probs_sort, axis=-1)
    # top-k mask
    ar = jnp.arange(probs.shape[-1], dtype=jnp.int32)[None, :]
    probs_sort = jnp.where(ar >= top_ks[:, None], 0.0, probs_sort)
    # top-p mask (uses pre-mask cumsum, post-top-k probs_sort, like torch)
    probs_sort = jnp.where(probs_sum - probs_sort > top_ps[:, None], 0.0, probs_sort)
    # min-p mask
    thr = probs_sort[:, 0] * min_ps
    probs_sort = jnp.where(probs_sort < thr[:, None], 0.0, probs_sort)
    # multinomial(num_samples=1) over filtered probs -> categorical on log-probs
    logp = jnp.where(probs_sort > 0, jnp.log(probs_sort), -jnp.inf)
    sampled = jax.random.categorical(jax.random.key(42), logp, axis=-1)
    token_ids = jnp.take_along_axis(sort_idx.astype(jnp.int32), sampled[:, None], axis=1).reshape(-1)
    return token_ids

if __name__ == "__main__":
    import jax
    _d = setup_inputs()
    print(jax.jit(kernel)(*tuple(_d.values())))

</pallas_src>

<mosaic_0001>
module attributes {stable_mosaic.version = 14 : i64} {
  func.func @_row_kernel(%arg0: i32, %arg1: memref<1x1024x128xf32, #tpu.memory_space<vmem>>, %arg2: memref<1x1x1xf32, #tpu.memory_space<vmem>>, %arg3: memref<1x1x1xf32, #tpu.memory_space<vmem>>, %arg4: memref<1x1x1xf32, #tpu.memory_space<vmem>>, %arg5: memref<1x1x1xi32, #tpu.memory_space<vmem>>, %arg6: memref<1x1x64xf32, #tpu.memory_space<vmem>>, %arg7: memref<1x1x1xi32, #tpu.memory_space<vmem>>, %arg8: memref<1024x128xf32, #tpu.memory_space<vmem>>) attributes {dimension_semantics = [#tpu.dimension_semantics<arbitrary>], iteration_bounds = array<i64: 128>, scalar_prefetch = 0 : i64, scratch_operands = 1 : i64, tpu.core_type = #tpu.core_type<tc>, window_params = [{transform_indices = @transform_0, window_bounds = array<i64: 1, 1024, 128>}, {transform_indices = @transform_1, window_bounds = array<i64: 1, 1, 1>}, {transform_indices = @transform_2, window_bounds = array<i64: 1, 1, 1>}, {transform_indices = @transform_3, window_bounds = array<i64: 1, 1, 1>}, {transform_indices = @transform_4, window_bounds = array<i64: 1, 1, 1>}, {transform_indices = @transform_5, window_bounds = array<i64: 1, 1, 64>}, {transform_indices = @transform_6, window_bounds = array<i64: 1, 1, 1>}]} {
    %get3A = arith.constant 0 : index
    %get3A_0 = arith.constant 0 : index
    %get3A_1 = arith.constant 0 : index
    %get3A_2 = vector.load %arg2[%get3A, %get3A_0, %get3A_1] : memref<1x1x1xf32, #tpu.memory_space<vmem>>, vector<1x1x1xf32>
    %get3A_3 = vector.extract %get3A_2[0, 0, 0] : f32 from vector<1x1x1xf32>
    %get3A_4 = arith.constant 0 : index
    %get3A_5 = arith.constant 0 : index
    %get3A_6 = arith.constant 0 : index
    %get3A_7 = vector.load %arg3[%get3A_4, %get3A_5, %get3A_6] : memref<1x1x1xf32, #tpu.memory_space<vmem>>, vector<1x1x1xf32>
    %get3A_8 = vector.extract %get3A_7[0, 0, 0] : f32 from vector<1x1x1xf32>
    %get3A_9 = arith.constant 0 : index
    %get3A_10 = arith.constant 0 : index
    %get3A_11 = arith.constant 0 : index
    %get3A_12 = vector.load %arg4[%get3A_9, %get3A_10, %get3A_11] : memref<1x1x1xf32, #tpu.memory_space<vmem>>, vector<1x1x1xf32>
    %get3A_13 = vector.extract %get3A_12[0, 0, 0] : f32 from vector<1x1x1xf32>
    %get3A_14 = arith.constant 0 : index
    %get3A_15 = arith.constant 0 : index
    %get3A_16 = arith.constant 0 : index
    %get3A_17 = vector.load %arg5[%get3A_14, %get3A_15, %get3A_16] : memref<1x1x1xi32, #tpu.memory_space<vmem>>, vector<1x1x1xi32>
    %get3A_18 = vector.extract %get3A_17[0, 0, 0] : i32 from vector<1x1x1xi32>
    %get3A_19 = arith.constant 0 : index
    %get3A_20 = arith.constant 0 : index
    %get3A_21 = arith.constant 0 : index
    %get3A_22 = vector.load %arg1[%get3A_19, %get3A_20, %get3A_21] : memref<1x1024x128xf32, #tpu.memory_space<vmem>>, vector<1x1024x128xf32>
    %get3A_23 = vector.shape_cast %get3A_22 : vector<1x1024x128xf32> to vector<1024x128xf32>
    %div3A = vector.broadcast %get3A_3 : f32 to vector<1024x128xf32>
    %div3A_24 = arith.divf %get3A_23, %div3A : vector<1024x128xf32>
    %reduce_max3A = vector.shape_cast %div3A_24 : vector<1024x128xf32> to vector<1x1024x128xf32>
    %reduce_max3A_25 = arith.constant dense<0xFF800000> : vector<1xf32>
    %reduce_max3A_26 = vector.multi_reduction <maximumf>, %reduce_max3A, %reduce_max3A_25 [1, 2] : vector<1x1024x128xf32> to vector<1xf32>
    %reduce_max3A_27 = vector.shape_cast %reduce_max3A_26 : vector<1xf32> to vector<1x1x1xf32>
    %reduce_max3A_28 = vector.extract %reduce_max3A_27[0, 0, 0] : f32 from vector<1x1x1xf32>
    %sub3A = vector.broadcast %reduce_max3A_28 : f32 to vector<1024x128xf32>
    %sub3A_29 = arith.subf %div3A_24, %sub3A : vector<1024x128xf32>
    %exp3A = math.exp %sub3A_29 : vector<1024x128xf32>
    %swap3A = arith.constant 0 : index
    %swap3A_30 = arith.constant 0 : index
    %swap3A_31 = vector.load %arg8[%swap3A, %swap3A_30] : memref<1024x128xf32, #tpu.memory_space<vmem>>, vector<1024x128xf32>
    tpu.vector_store %arg8[%swap3A, %swap3A_30], %exp3A {strides = array<i32>} : memref<1024x128xf32, #tpu.memory_space<vmem>>, vector<1024x128xf32>,
    %get3A_32 = arith.constant 0 : index
    %get3A_33 = arith.constant 0 : index
    %get3A_34 = vector.load %arg8[%get3A_32, %get3A_33] : memref<1024x128xf32, #tpu.memory_space<vmem>>, vector<1024x128xf32>
    %reduce_sum3A = vector.shape_cast %get3A_34 : vector<1024x128xf32> to vector<1x1024x128xf32>
    %reduce_sum3A_35 = arith.constant dense<0.000000e+00> : vector<1xf32>
    %reduce_sum3A_36 = vector.multi_reduction <add>, %reduce_sum3A, %reduce_sum3A_35 [1, 2] : vector<1x1024x128xf32> to vector<1xf32>
    %reduce_sum3A_37 = vector.shape_cast %reduce_sum3A_36 : vector<1xf32> to vector<1x1x1xf32>
    %reduce_sum3A_38 = vector.extract %reduce_sum3A_37[0, 0, 0] : f32 from vector<1x1x1xf32>
    %reshape3A = vector.shape_cast %get3A_34 : vector<1024x128xf32> to vector<8x128x128xf32>
    %reduce_max3A_39 = arith.constant dense<0xFF800000> : vector<8x128xf32>
    %reduce_max3A_40 = vector.multi_reduction <maximumf>, %reshape3A, %reduce_max3A_39 [2] : vector<8x128x128xf32> to vector<8x128xf32>
    %iota3A = tpu.iota {dimensions = array<i32: 0>} : vector<8x128xi32>
    %mul3A = arith.constant 128 : i32
    %mul3A_41 = vector.broadcast %mul3A : i32 to vector<8x128xi32>
    %mul3A_42 = arith.muli %iota3A, %mul3A_41 : vector<8x128xi32>
    %iota3A_43 = tpu.iota {dimensions = array<i32: 1>} : vector<8x128xi32>
    %add3A = arith.addi %mul3A_42, %iota3A_43 : vector<8x128xi32>
    %iota3A_44 = tpu.iota {dimensions = array<i32: 0>} : vector<8x128xi32>
    %iota3A_45 = tpu.iota {dimensions = array<i32: 1>} : vector<8x128xi32>
    %iota3A_46 = tpu.iota {dimensions = array<i32: 1>} : vector<1x64xi32>
    %broadcast_in_dim3A = arith.constant -1.000000e+00 : f32
    %broadcast_in_dim3A_47 = vector.broadcast %broadcast_in_dim3A : f32 to vector<1x64xf32>
    %broadcast_in_dim3A_48 = arith.constant 0 : i32
    %broadcast_in_dim3A_49 = vector.broadcast %broadcast_in_dim3A_48 : i32 to vector<1x64xi32>
    %while3A = arith.constant 0 : i32
    %while3A_50 = arith.subi %get3A_18, %while3A : i32
    %while3A_51 = arith.addi %while3A, %while3A_50 : i32
    %while3A_52 = arith.constant 1 : i32
    %while3A_53 = arith.divsi %while3A_50, %while3A_52 : i32
    %while3A_54 = arith.muli %while3A_53, %while3A_52 : i32
    %while3A_55 = arith.addi %while3A, %while3A_54 : i32
    %while3A_56 = arith.constant 1 : i32
    %while3A_57:3 = scf.for %while3A_155 = %while3A to %while3A_55 step %while3A_56 iter_args(%while3A_156 = %reduce_max3A_40, %while3A_157 = %broadcast_in_dim3A_47, %while3A_158 = %broadcast_in_dim3A_49) -> (vector<8x128xf32>, vector<1x64xf32>, vector<1x64xi32>)  : i32 {
      %reduce_max3A_159 = vector.shape_cast %while3A_156 : vector<8x128xf32> to vector<1x8x128xf32>
      %reduce_max3A_160 = arith.constant dense<0xFF800000> : vector<1xf32>
      %reduce_max3A_161 = vector.multi_reduction <maximumf>, %reduce_max3A_159, %reduce_max3A_160 [1, 2] : vector<1x8x128xf32> to vector<1xf32>
      %reduce_max3A_162 = vector.shape_cast %reduce_max3A_161 : vector<1xf32> to vector<1x1x1xf32>
      %reduce_max3A_163 = vector.extract %reduce_max3A_162[0, 0, 0] : f32 from vector<1x1x1xf32>
      %eq3A_164 = vector.broadcast %reduce_max3A_163 : f32 to vector<8x128xf32>
      %eq3A_165 = arith.cmpf oeq, %while3A_156, %eq3A_164 : vector<8x128xf32>
      %jit3A_166 = arith.constant 99999 : i32
      %broadcast_in_dim3A_167 = vector.broadcast %jit3A_166 : i32 to vector<8x128xi32>
      %select_n3A_168 = arith.select %eq3A_165, %add3A, %broadcast_in_dim3A_167 : vector<8x128xi1>, vector<8x128xi32>
      %reduce_min3A_169 = vector.shape_cast %select_n3A_168 : vector<8x128xi32> to vector<1x8x128xi32>
      %reduce_min3A_170 = arith.constant dense<2147483647> : vector<1xi32>
      %reduce_min3A_171 = vector.multi_reduction <minsi>, %reduce_min3A_169, %reduce_min3A_170 [1, 2] : vector<1x8x128xi32> to vector<1xi32>
      %reduce_min3A_172 = vector.shape_cast %reduce_min3A_171 : vector<1xi32> to vector<1x1x1xi32>
      %reduce_min3A_173 = vector.extract %reduce_min3A_172[0, 0, 0] : i32 from vector<1x1x1xi32>
      %jit3A_174 = arith.constant 8 : i32
      %div3A_175 = arith.divsi %reduce_min3A_173, %jit3A_174 : i32
      %sign3A = arith.constant 0 : i32
      %sign3A_176 = arith.cmpi sgt, %reduce_min3A_173, %sign3A : i32
      %sign3A_177 = arith.extui %sign3A_176 : i1 to i32
      %sign3A_178 = arith.constant 0 : i32
      %sign3A_179 = arith.cmpi slt, %reduce_min3A_173, %sign3A_178 : i32
      %sign3A_180 = arith.extui %sign3A_179 : i1 to i32
      %sign3A_181 = arith.subi %sign3A_177, %sign3A_180 : i32
      %sign3A_182 = arith.constant 0 : i32
      %sign3A_183 = arith.cmpi sgt, %jit3A_174, %sign3A_182 : i32
      %sign3A_184 = arith.extui %sign3A_183 : i1 to i32
      %sign3A_185 = arith.constant 0 : i32
      %sign3A_186 = arith.cmpi slt, %jit3A_174, %sign3A_185 : i32
      %sign3A_187 = arith.extui %sign3A_186 : i1 to i32
      %sign3A_188 = arith.subi %sign3A_184, %sign3A_187 : i32
      %ne3A = arith.cmpi ne, %sign3A_181, %sign3A_188 : i32
      %rem3A = arith.remsi %reduce_min3A_173, %jit3A_174 : i32
      %ne3A_189 = arith.constant 0 : i32
      %ne3A_190 = arith.cmpi ne, %rem3A, %ne3A_189 : i32
      %and3A = arith.andi %ne3A, %ne3A_190 : i1
      %sub3A_191 = arith.constant 1 : i32
      %sub3A_192 = arith.subi %div3A_175, %sub3A_191 : i32
      %select_n3A_193 = arith.select %and3A, %sub3A_192, %div3A_175 : i32
      %mul3A_194 = arith.constant 8 : i32
      %mul3A_195 = arith.muli %select_n3A_193, %mul3A_194 : i32
      %get3A_196 = arith.index_cast %mul3A_195 : i32 to index
      %get3A_197 = arith.constant 0 : index
      %get3A_198 = vector.load %arg8[%get3A_196, %get3A_197] : memref<1024x128xf32, #tpu.memory_space<vmem>>, vector<8x128xf32>
      %sub3A_199 = arith.subi %reduce_min3A_173, %mul3A_195 : i32
      %eq3A_200 = vector.broadcast %sub3A_199 : i32 to vector<8x128xi32>
      %eq3A_201 = arith.cmpi eq, %iota3A_44, %eq3A_200 : vector<8x128xi32>
      %eq3A_202 = vector.broadcast %reduce_max3A_163 : f32 to vector<8x128xf32>
      %eq3A_203 = arith.cmpf oeq, %get3A_198, %eq3A_202 : vector<8x128xf32>
      %and3A_204 = arith.andi %eq3A_203, %eq3A_201 : vector<8x128xi1>
      %jit3A_205 = arith.constant 999 : i32
      %broadcast_in_dim3A_206 = vector.broadcast %jit3A_205 : i32 to vector<8x128xi32>
      %select_n3A_207 = arith.select %and3A_204, %iota3A_45, %broadcast_in_dim3A_206 : vector<8x128xi1>, vector<8x128xi32>
      %reduce_min3A_208 = vector.shape_cast %select_n3A_207 : vector<8x128xi32> to vector<1x8x128xi32>
      %reduce_min3A_209 = arith.constant dense<2147483647> : vector<1xi32>
      %reduce_min3A_210 = vector.multi_reduction <minsi>, %reduce_min3A_208, %reduce_min3A_209 [1, 2] : vector<1x8x128xi32> to vector<1xi32>
      %reduce_min3A_211 = vector.shape_cast %reduce_min3A_210 : vector<1xi32> to vector<1x1x1xi32>
      %reduce_min3A_212 = vector.extract %reduce_min3A_211[0, 0, 0] : i32 from vector<1x1x1xi32>
      %eq3A_213 = vector.broadcast %reduce_min3A_212 : i32 to vector<8x128xi32>
      %eq3A_214 = arith.cmpi eq, %iota3A_45, %eq3A_213 : vector<8x128xi32>
      %and3A_215 = arith.andi %eq3A_201, %eq3A_214 : vector<8x128xi1>
      %jit3A_216 = arith.constant -1.000000e+00 : f32
      %broadcast_in_dim3A_217 = vector.broadcast %jit3A_216 : f32 to vector<8x128xf32>
      %select_n3A_218 = arith.select %and3A_215, %broadcast_in_dim3A_217, %get3A_198 : vector<8x128xi1>, vector<8x128xf32>
      %swap3A_219 = arith.index_cast %mul3A_195 : i32 to index
      %swap3A_220 = arith.constant 0 : index
      %swap3A_221 = vector.load %arg8[%swap3A_219, %swap3A_220] : memref<1024x128xf32, #tpu.memory_space<vmem>>, vector<8x128xf32>
      tpu.vector_store %arg8[%swap3A_219, %swap3A_220], %select_n3A_218 {strides = array<i32>} : memref<1024x128xf32, #tpu.memory_space<vmem>>, vector<8x128xf32>,
      %jit3A_222 = arith.constant -1.000000e+00 : f32
      %broadcast_in_dim3A_223 = vector.broadcast %jit3A_222 : f32 to vector<8x128xf32>
      %select_n3A_224 = arith.select %eq3A_201, %select_n3A_218, %broadcast_in_dim3A_223 : vector<8x128xi1>, vector<8x128xf32>
      %reduce_max3A_225 = vector.shape_cast %select_n3A_224 : vector<8x128xf32> to vector<1x8x128xf32>
      %reduce_max3A_226 = arith.constant dense<0xFF800000> : vector<1xf32>
      %reduce_max3A_227 = vector.multi_reduction <maximumf>, %reduce_max3A_225, %reduce_max3A_226 [1, 2] : vector<1x8x128xf32> to vector<1xf32>
      %reduce_max3A_228 = vector.shape_cast %reduce_max3A_227 : vector<1xf32> to vector<1x1x1xf32>
      %reduce_max3A_229 = vector.extract %reduce_max3A_228[0, 0, 0] : f32 from vector<1x1x1xf32>
      %eq3A_230 = vector.broadcast %reduce_min3A_173 : i32 to vector<8x128xi32>
      %eq3A_231 = arith.cmpi eq, %add3A, %eq3A_230 : vector<8x128xi32>
      %broadcast_in_dim3A_232 = vector.broadcast %reduce_max3A_229 : f32 to vector<8x128xf32>
      %select_n3A_233 = arith.select %eq3A_231, %broadcast_in_dim3A_232, %while3A_156 : vector<8x128xi1>, vector<8x128xf32>
      %eq3A_234 = vector.broadcast %while3A_155 : i32 to vector<1x64xi32>
      %eq3A_235 = arith.cmpi eq, %iota3A_46, %eq3A_234 : vector<1x64xi32>
      %broadcast_in_dim3A_236 = vector.broadcast %reduce_max3A_163 : f32 to vector<1x64xf32>
      %select_n3A_237 = arith.select %eq3A_235, %broadcast_in_dim3A_236, %while3A_157 : vector<1x64xi1>, vector<1x64xf32>
      %eq3A_238 = vector.broadcast %while3A_155 : i32 to vector<1x64xi32>
      %eq3A_239 = arith.cmpi eq, %iota3A_46, %eq3A_238 : vector<1x64xi32>
      %mul3A_240 = arith.constant 98 : i32
      %mul3A_241 = arith.muli %reduce_min3A_173, %mul3A_240 : i32
      %add3A_242 = arith.addi %mul3A_241, %reduce_min3A_212 : i32
      %broadcast_in_dim3A_243 = vector.broadcast %add3A_242 : i32 to vector<1x64xi32>
      %select_n3A_244 = arith.select %eq3A_239, %broadcast_in_dim3A_243, %while3A_158 : vector<1x64xi1>, vector<1x64xi32>
      scf.yield %select_n3A_233, %select_n3A_237, %select_n3A_244 : vector<8x128xf32>, vector<1x64xf32>, vector<1x64xi32>
    }
    %while3A_58 = arith.constant 1 : i32
    %while3A_59:3 = scf.for %while3A_155 = %while3A_55 to %while3A_51 step %while3A_58 iter_args(%while3A_156 = %while3A_57#0, %while3A_157 = %while3A_57#1, %while3A_158 = %while3A_57#2) -> (vector<8x128xf32>, vector<1x64xf32>, vector<1x64xi32>)  : i32 {
      %reduce_max3A_159 = vector.shape_cast %while3A_156 : vector<8x128xf32> to vector<1x8x128xf32>
      %reduce_max3A_160 = arith.constant dense<0xFF800000> : vector<1xf32>
      %reduce_max3A_161 = vector.multi_reduction <maximumf>, %reduce_max3A_159, %reduce_max3A_160 [1, 2] : vector<1x8x128xf32> to vector<1xf32>
      %reduce_max3A_162 = vector.shape_cast %reduce_max3A_161 : vector<1xf32> to vector<1x1x1xf32>
      %reduce_max3A_163 = vector.extract %reduce_max3A_162[0, 0, 0] : f32 from vector<1x1x1xf32>
      %eq3A_164 = vector.broadcast %reduce_max3A_163 : f32 to vector<8x128xf32>
      %eq3A_165 = arith.cmpf oeq, %while3A_156, %eq3A_164 : vector<8x128xf32>
      %jit3A_166 = arith.constant 99999 : i32
      %broadcast_in_dim3A_167 = vector.broadcast %jit3A_166 : i32 to vector<8x128xi32>
      %select_n3A_168 = arith.select %eq3A_165, %add3A, %broadcast_in_dim3A_167 : vector<8x128xi1>, vector<8x128xi32>
      %reduce_min3A_169 = vector.shape_cast %select_n3A_168 : vector<8x128xi32> to vector<1x8x128xi32>
      %reduce_min3A_170 = arith.constant dense<2147483647> : vector<1xi32>
      %reduce_min3A_171 = vector.multi_reduction <minsi>, %reduce_min3A_169, %reduce_min3A_170 [1, 2] : vector<1x8x128xi32> to vector<1xi32>
      %reduce_min3A_172 = vector.shape_cast %reduce_min3A_171 : vector<1xi32> to vector<1x1x1xi32>
      %reduce_min3A_173 = vector.extract %reduce_min3A_172[0, 0, 0] : i32 from vector<1x1x1xi32>
      %jit3A_174 = arith.constant 8 : i32
      %div3A_175 = arith.divsi %reduce_min3A_173, %jit3A_174 : i32
      %sign3A = arith.constant 0 : i32
      %sign3A_176 = arith.cmpi sgt, %reduce_min3A_173, %sign3A : i32
      %sign3A_177 = arith.extui %sign3A_176 : i1 to i32
      %sign3A_178 = arith.constant 0 : i32
      %sign3A_179 = arith.cmpi slt, %reduce_min3A_173, %sign3A_178 : i32
      %sign3A_180 = arith.extui %sign3A_179 : i1 to i32
      %sign3A_181 = arith.subi %sign3A_177, %sign3A_180 : i32
      %sign3A_182 = arith.constant 0 : i32
      %sign3A_183 = arith.cmpi sgt, %jit3A_174, %sign3A_182 : i32
      %sign3A_184 = arith.extui %sign3A_183 : i1 to i32
      %sign3A_185 = arith.constant 0 : i32
      %sign3A_186 = arith.cmpi slt, %jit3A_174, %sign3A_185 : i32
      %sign3A_187 = arith.extui %sign3A_186 : i1 to i32
      %sign3A_188 = arith.subi %sign3A_184, %sign3A_187 : i32
      %ne3A = arith.cmpi ne, %sign3A_181, %sign3A_188 : i32
      %rem3A = arith.remsi %reduce_min3A_173, %jit3A_174 : i32
      %ne3A_189 = arith.constant 0 : i32
      %ne3A_190 = arith.cmpi ne, %rem3A, %ne3A_189 : i32
      %and3A = arith.andi %ne3A, %ne3A_190 : i1
      %sub3A_191 = arith.constant 1 : i32
      %sub3A_192 = arith.subi %div3A_175, %sub3A_191 : i32
      %select_n3A_193 = arith.select %and3A, %sub3A_192, %div3A_175 : i32
      %mul3A_194 = arith.constant 8 : i32
      %mul3A_195 = arith.muli %select_n3A_193, %mul3A_194 : i32
      %get3A_196 = arith.index_cast %mul3A_195 : i32 to index
      %get3A_197 = arith.constant 0 : index
      %get3A_198 = vector.load %arg8[%get3A_196, %get3A_197] : memref<1024x128xf32, #tpu.memory_space<vmem>>, vector<8x128xf32>
      %sub3A_199 = arith.subi %reduce_min3A_173, %mul3A_195 : i32
      %eq3A_200 = vector.broadcast %sub3A_199 : i32 to vector<8x128xi32>
      %eq3A_201 = arith.cmpi eq, %iota3A_44, %eq3A_200 : vector<8x128xi32>
      %eq3A_202 = vector.broadcast %reduce_max3A_163 : f32 to vector<8x128xf32>
      %eq3A_203 = arith.cmpf oeq, %get3A_198, %eq3A_202 : vector<8x128xf32>
      %and3A_204 = arith.andi %eq3A_203, %eq3A_201 : vector<8x128xi1>
      %jit3A_205 = arith.constant 999 : i32
      %broadcast_in_dim3A_206 = vector.broadcast %jit3A_205 : i32 to vector<8x128xi32>
      %select_n3A_207 = arith.select %and3A_204, %iota3A_45, %broadcast_in_dim3A_206 : vector<8x128xi1>, vector<8x128xi32>
      %reduce_min3A_208 = vector.shape_cast %select_n3A_207 : vector<8x128xi32> to vector<1x8x128xi32>
      %reduce_min3A_209 = arith.constant dense<2147483647> : vector<1xi32>
      %reduce_min3A_210 = vector.multi_reduction <minsi>, %reduce_min3A_208, %reduce_min3A_209 [1, 2] : vector<1x8x128xi32> to vector<1xi32>
      %reduce_min3A_211 = vector.shape_cast %reduce_min3A_210 : vector<1xi32> to vector<1x1x1xi32>
      %reduce_min3A_212 = vector.extract %reduce_min3A_211[0, 0, 0] : i32 from vector<1x1x1xi32>
      %eq3A_213 = vector.broadcast %reduce_min3A_212 : i32 to vector<8x128xi32>
      %eq3A_214 = arith.cmpi eq, %iota3A_45, %eq3A_213 : vector<8x128xi32>
      %and3A_215 = arith.andi %eq3A_201, %eq3A_214 : vector<8x128xi1>
      %jit3A_216 = arith.constant -1.000000e+00 : f32
      %broadcast_in_dim3A_217 = vector.broadcast %jit3A_216 : f32 to vector<8x128xf32>
      %select_n3A_218 = arith.select %and3A_215, %broadcast_in_dim3A_217, %get3A_198 : vector<8x128xi1>, vector<8x128xf32>
      %swap3A_219 = arith.index_cast %mul3A_195 : i32 to index
      %swap3A_220 = arith.constant 0 : index
      %swap3A_221 = vector.load %arg8[%swap3A_219, %swap3A_220] : memref<1024x128xf32, #tpu.memory_space<vmem>>, vector<8x128xf32>
      tpu.vector_store %arg8[%swap3A_219, %swap3A_220], %select_n3A_218 {strides = array<i32>} : memref<1024x128xf32, #tpu.memory_space<vmem>>, vector<8x128xf32>,
      %jit3A_222 = arith.constant -1.000000e+00 : f32
      %broadcast_in_dim3A_223 = vector.broadcast %jit3A_222 : f32 to vector<8x128xf32>
      %select_n3A_224 = arith.select %eq3A_201, %select_n3A_218, %broadcast_in_dim3A_223 : vector<8x128xi1>, vector<8x128xf32>
      %reduce_max3A_225 = vector.shape_cast %select_n3A_224 : vector<8x128xf32> to vector<1x8x128xf32>
      %reduce_max3A_226 = arith.constant dense<0xFF800000> : vector<1xf32>
      %reduce_max3A_227 = vector.multi_reduction <maximumf>, %reduce_max3A_225, %reduce_max3A_226 [1, 2] : vector<1x8x128xf32> to vector<1xf32>
      %reduce_max3A_228 = vector.shape_cast %reduce_max3A_227 : vector<1xf32> to vector<1x1x1xf32>
      %reduce_max3A_229 = vector.extract %reduce_max3A_228[0, 0, 0] : f32 from vector<1x1x1xf32>
      %eq3A_230 = vector.broadcast %reduce_min3A_173 : i32 to vector<8x128xi32>
      %eq3A_231 = arith.cmpi eq, %add3A, %eq3A_230 : vector<8x128xi32>
      %broadcast_in_dim3A_232 = vector.broadcast %reduce_max3A_229 : f32 to vector<8x128xf32>
      %select_n3A_233 = arith.select %eq3A_231, %broadcast_in_dim3A_232, %while3A_156 : vector<8x128xi1>, vector<8x128xf32>
      %eq3A_234 = vector.broadcast %while3A_155 : i32 to vector<1x64xi32>
      %eq3A_235 = arith.cmpi eq, %iota3A_46, %eq3A_234 : vector<1x64xi32>
      %broadcast_in_dim3A_236 = vector.broadcast %reduce_max3A_163 : f32 to vector<1x64xf32>
      %select_n3A_237 = arith.select %eq3A_235, %broadcast_in_dim3A_236, %while3A_157 : vector<1x64xi1>, vector<1x64xf32>
      %eq3A_238 = vector.broadcast %while3A_155 : i32 to vector<1x64xi32>
      %eq3A_239 = arith.cmpi eq, %iota3A_46, %eq3A_238 : vector<1x64xi32>
      %mul3A_240 = arith.constant 98 : i32
      %mul3A_241 = arith.muli %reduce_min3A_173, %mul3A_240 : i32
      %add3A_242 = arith.addi %mul3A_241, %reduce_min3A_212 : i32
      %broadcast_in_dim3A_243 = vector.broadcast %add3A_242 : i32 to vector<1x64xi32>
      %select_n3A_244 = arith.select %eq3A_239, %broadcast_in_dim3A_243, %while3A_158 : vector<1x64xi1>, vector<1x64xi32>
      scf.yield %select_n3A_233, %select_n3A_237, %select_n3A_244 : vector<8x128xf32>, vector<1x64xf32>, vector<1x64xi32>
    }
    %div3A_60 = vector.broadcast %reduce_sum3A_38 : f32 to vector<1x64xf32>
    %div3A_61 = arith.divf %while3A_59#1, %div3A_60 : vector<1x64xf32>
    %broadcast_in_dim3A_62 = arith.constant 0.000000e+00 : f32
    %broadcast_in_dim3A_63 = vector.broadcast %broadcast_in_dim3A_62 : f32 to vector<1x1xf32>
    %slice3A = vector.extract_strided_slice %div3A_61 {offsets = [0, 0], sizes = [1, 63], strides = [1, 1]} : vector<1x64xf32> to vector<1x63xf32>
    %concatenate3A = tpu.concatenate %broadcast_in_dim3A_63, %slice3A in 1 : vector<1x1xf32>, vector<1x63xf32> -> vector<1x64xf32>
    %add3A_64 = arith.addf %div3A_61, %concatenate3A : vector<1x64xf32>
    %broadcast_in_dim3A_65 = arith.constant 0.000000e+00 : f32
    %broadcast_in_dim3A_66 = vector.broadcast %broadcast_in_dim3A_65 : f32 to vector<1x2xf32>
    %slice3A_67 = vector.extract_strided_slice %add3A_64 {offsets = [0, 0], sizes = [1, 62], strides = [1, 1]} : vector<1x64xf32> to vector<1x62xf32>
    %concatenate3A_68 = tpu.concatenate %broadcast_in_dim3A_66, %slice3A_67 in 1 : vector<1x2xf32>, vector<1x62xf32> -> vector<1x64xf32>
    %add3A_69 = arith.addf %add3A_64, %concatenate3A_68 : vector<1x64xf32>
    %broadcast_in_dim3A_70 = arith.constant 0.000000e+00 : f32
    %broadcast_in_dim3A_71 = vector.broadcast %broadcast_in_dim3A_70 : f32 to vector<1x4xf32>
    %slice3A_72 = vector.extract_strided_slice %add3A_69 {offsets = [0, 0], sizes = [1, 60], strides = [1, 1]} : vector<1x64xf32> to vector<1x60xf32>
    %concatenate3A_73 = tpu.concatenate %broadcast_in_dim3A_71, %slice3A_72 in 1 : vector<1x4xf32>, vector<1x60xf32> -> vector<1x64xf32>
    %add3A_74 = arith.addf %add3A_69, %concatenate3A_73 : vector<1x64xf32>
    %broadcast_in_dim3A_75 = arith.constant 0.000000e+00 : f32
    %broadcast_in_dim3A_76 = vector.broadcast %broadcast_in_dim3A_75 : f32 to vector<1x8xf32>
    %slice3A_77 = vector.extract_strided_slice %add3A_74 {offsets = [0, 0], sizes = [1, 56], strides = [1, 1]} : vector<1x64xf32> to vector<1x56xf32>
    %concatenate3A_78 = tpu.concatenate %broadcast_in_dim3A_76, %slice3A_77 in 1 : vector<1x8xf32>, vector<1x56xf32> -> vector<1x64xf32>
    %add3A_79 = arith.addf %add3A_74, %concatenate3A_78 : vector<1x64xf32>
    %broadcast_in_dim3A_80 = arith.constant 0.000000e+00 : f32
    %broadcast_in_dim3A_81 = vector.broadcast %broadcast_in_dim3A_80 : f32 to vector<1x16xf32>
    %slice3A_82 = vector.extract_strided_slice %add3A_79 {offsets = [0, 0], sizes = [1, 48], strides = [1, 1]} : vector<1x64xf32> to vector<1x48xf32>
    %concatenate3A_83 = tpu.concatenate %broadcast_in_dim3A_81, %slice3A_82 in 1 : vector<1x16xf32>, vector<1x48xf32> -> vector<1x64xf32>
    %add3A_84 = arith.addf %add3A_79, %concatenate3A_83 : vector<1x64xf32>
    %broadcast_in_dim3A_85 = arith.constant 0.000000e+00 : f32
    %broadcast_in_dim3A_86 = vector.broadcast %broadcast_in_dim3A_85 : f32 to vector<1x32xf32>
    %slice3A_87 = vector.extract_strided_slice %add3A_84 {offsets = [0, 0], sizes = [1, 32], strides = [1, 1]} : vector<1x64xf32> to vector<1x32xf32>
    %concatenate3A_88 = tpu.concatenate %broadcast_in_dim3A_86, %slice3A_87 in 1 : vector<1x32xf32>, vector<1x32xf32> -> vector<1x64xf32>
    %add3A_89 = arith.addf %add3A_84, %concatenate3A_88 : vector<1x64xf32>
    %ge3A = vector.broadcast %get3A_18 : i32 to vector<1x64xi32>
    %ge3A_90 = arith.cmpi sge, %iota3A_46, %ge3A : vector<1x64xi32>
    %jit3A = arith.constant 0.000000e+00 : f32
    %broadcast_in_dim3A_91 = vector.broadcast %jit3A : f32 to vector<1x64xf32>
    %select_n3A = arith.select %ge3A_90, %broadcast_in_dim3A_91, %div3A_61 : vector<1x64xi1>, vector<1x64xf32>
    %sub3A_92 = arith.subf %add3A_89, %select_n3A : vector<1x64xf32>
    %gt3A = vector.broadcast %get3A_13 : f32 to vector<1x64xf32>
    %gt3A_93 = arith.cmpf ogt, %sub3A_92, %gt3A : vector<1x64xf32>
    %jit3A_94 = arith.constant 0.000000e+00 : f32
    %broadcast_in_dim3A_95 = vector.broadcast %jit3A_94 : f32 to vector<1x64xf32>
    %select_n3A_96 = arith.select %gt3A_93, %broadcast_in_dim3A_95, %select_n3A : vector<1x64xi1>, vector<1x64xf32>
    %eq3A = arith.constant 0 : i32
    %eq3A_97 = vector.broadcast %eq3A : i32 to vector<1x64xi32>
    %eq3A_98 = arith.cmpi eq, %iota3A_46, %eq3A_97 : vector<1x64xi32>
    %jit3A_99 = arith.constant 0xFF800000 : f32
    %broadcast_in_dim3A_100 = vector.broadcast %jit3A_99 : f32 to vector<1x64xf32>
    %select_n3A_101 = arith.select %eq3A_98, %select_n3A_96, %broadcast_in_dim3A_100 : vector<1x64xi1>, vector<1x64xf32>
    %reduce_max3A_102 = vector.shape_cast %select_n3A_101 : vector<1x64xf32> to vector<1x1x64xf32>
    %reduce_max3A_103 = arith.constant dense<0xFF800000> : vector<1xf32>
    %reduce_max3A_104 = vector.multi_reduction <maximumf>, %reduce_max3A_102, %reduce_max3A_103 [1, 2] : vector<1x1x64xf32> to vector<1xf32>
    %reduce_max3A_105 = vector.shape_cast %reduce_max3A_104 : vector<1xf32> to vector<1x1x1xf32>
    %reduce_max3A_106 = vector.extract %reduce_max3A_105[0, 0, 0] : f32 from vector<1x1x1xf32>
    %mul3A_107 = arith.mulf %reduce_max3A_106, %get3A_8 : f32
    %lt3A = vector.broadcast %mul3A_107 : f32 to vector<1x64xf32>
    %lt3A_108 = arith.cmpf olt, %select_n3A_96, %lt3A : vector<1x64xf32>
    %jit3A_109 = arith.constant 0.000000e+00 : f32
    %broadcast_in_dim3A_110 = vector.broadcast %jit3A_109 : f32 to vector<1x64xf32>
    %select_n3A_111 = arith.select %lt3A_108, %broadcast_in_dim3A_110, %select_n3A_96 : vector<1x64xi1>, vector<1x64xf32>
    %gt3A_112 = arith.constant 0.000000e+00 : f32
    %gt3A_113 = vector.broadcast %gt3A_112 : f32 to vector<1x64xf32>
    %gt3A_114 = arith.cmpf ogt, %select_n3A_111, %gt3A_113 : vector<1x64xf32>
    %log3A = math.log %select_n3A_111 : vector<1x64xf32>
    %jit3A_115 = arith.constant 0xFF800000 : f32
    %broadcast_in_dim3A_116 = vector.broadcast %jit3A_115 : f32 to vector<1x64xf32>
    %select_n3A_117 = arith.select %gt3A_114, %log3A, %broadcast_in_dim3A_116 : vector<1x64xi1>, vector<1x64xf32>
    %get3A_118 = arith.constant 0 : index
    %get3A_119 = arith.constant 0 : index
    %get3A_120 = arith.constant 0 : index
    %get3A_121 = vector.load %arg6[%get3A_118, %get3A_119, %get3A_120] : memref<1x1x64xf32, #tpu.memory_space<vmem>>, vector<1x1x64xf32>
    %get3A_122 = vector.shape_cast %get3A_121 : vector<1x1x64xf32> to vector<1x64xf32>
    %add3A_123 = arith.addf %select_n3A_117, %get3A_122 : vector<1x64xf32>
    %reduce_max3A_124 = vector.shape_cast %add3A_123 : vector<1x64xf32> to vector<1x1x64xf32>
    %reduce_max3A_125 = arith.constant dense<0xFF800000> : vector<1xf32>
    %reduce_max3A_126 = vector.multi_reduction <maximumf>, %reduce_max3A_124, %reduce_max3A_125 [1, 2] : vector<1x1x64xf32> to vector<1xf32>
    %reduce_max3A_127 = vector.shape_cast %reduce_max3A_126 : vector<1xf32> to vector<1x1x1xf32>
    %reduce_max3A_128 = vector.extract %reduce_max3A_127[0, 0, 0] : f32 from vector<1x1x1xf32>
    %eq3A_129 = vector.broadcast %reduce_max3A_128 : f32 to vector<1x64xf32>
    %eq3A_130 = arith.cmpf oeq, %add3A_123, %eq3A_129 : vector<1x64xf32>
    %jit3A_131 = arith.constant 64 : i32
    %broadcast_in_dim3A_132 = vector.broadcast %jit3A_131 : i32 to vector<1x64xi32>
    %select_n3A_133 = arith.select %eq3A_130, %iota3A_46, %broadcast_in_dim3A_132 : vector<1x64xi1>, vector<1x64xi32>
    %reduce_min3A = vector.shape_cast %select_n3A_133 : vector<1x64xi32> to vector<1x1x64xi32>
    %reduce_min3A_134 = arith.constant dense<2147483647> : vector<1xi32>
    %reduce_min3A_135 = vector.multi_reduction <minsi>, %reduce_min3A, %reduce_min3A_134 [1, 2] : vector<1x1x64xi32> to vector<1xi32>
    %reduce_min3A_136 = vector.shape_cast %reduce_min3A_135 : vector<1xi32> to vector<1x1x1xi32>
    %reduce_min3A_137 = vector.extract %reduce_min3A_136[0, 0, 0] : i32 from vector<1x1x1xi32>
    %eq3A_138 = vector.broadcast %reduce_min3A_137 : i32 to vector<1x64xi32>
    %eq3A_139 = arith.cmpi eq, %iota3A_46, %eq3A_138 : vector<1x64xi32>
    %jit3A_140 = arith.constant 0 : i32
    %broadcast_in_dim3A_141 = vector.broadcast %jit3A_140 : i32 to vector<1x64xi32>
    %select_n3A_142 = arith.select %eq3A_139, %while3A_59#2, %broadcast_in_dim3A_141 : vector<1x64xi1>, vector<1x64xi32>
    %reduce_sum3A_143 = vector.shape_cast %select_n3A_142 : vector<1x64xi32> to vector<1x1x64xi32>
    %reduce_sum3A_144 = arith.constant dense<0> : vector<1xi32>
    %reduce_sum3A_145 = vector.multi_reduction <add>, %reduce_sum3A_143, %reduce_sum3A_144 [1, 2] : vector<1x1x64xi32> to vector<1xi32>
    %reduce_sum3A_146 = vector.shape_cast %reduce_sum3A_145 : vector<1xi32> to vector<1x1x1xi32>
    %reduce_sum3A_147 = vector.extract %reduce_sum3A_146[0, 0, 0] : i32 from vector<1x1x1xi32>
    %reshape3A_148 = vector.broadcast %reduce_sum3A_147 : i32 to vector<1x1xi32>
    %swap3A_149 = arith.constant 0 : index
    %swap3A_150 = arith.constant 0 : index
    %swap3A_151 = arith.constant 0 : index
    %swap3A_152 = vector.load %arg7[%swap3A_149, %swap3A_150, %swap3A_151] : memref<1x1x1xi32, #tpu.memory_space<vmem>>, vector<1x1x1xi32>
    %swap3A_153 = vector.shape_cast %swap3A_152 : vector<1x1x1xi32> to vector<1x1xi32>
    %swap3A_154 = vector.shape_cast %reshape3A_148 : vector<1x1xi32> to vector<1x1x1xi32>
    tpu.vector_store %arg7[%swap3A_149, %swap3A_150, %swap3A_151], %swap3A_154 {strides = array<i32>} : memref<1x1x1xi32, #tpu.memory_space<vmem>>, vector<1x1x1xi32>,
    return
  }
  func.func @transform_0(%arg0: i32) -> (i32, i32, i32) {
    %c0_i32 = arith.constant 0 : i32
    %c0_i32_0 = arith.constant 0 : i32
    %c0_i32_1 = arith.constant 0 : i32
    return %arg0, %c0_i32, %c0_i32_0 : i32, i32, i32
  }
  func.func @transform_1(%arg0: i32) -> (i32, i32, i32) {
    %c0_i32 = arith.constant 0 : i32
    %c0_i32_0 = arith.constant 0 : i32
    %c0_i32_1 = arith.constant 0 : i32
    return %arg0, %c0_i32, %c0_i32_0 : i32, i32, i32
  }
  func.func @transform_2(%arg0: i32) -> (i32, i32, i32) {
    %c0_i32 = arith.constant 0 : i32
    %c0_i32_0 = arith.constant 0 : i32
    %c0_i32_1 = arith.constant 0 : i32
    return %arg0, %c0_i32, %c0_i32_0 : i32, i32, i32
  }
  func.func @transform_3(%arg0: i32) -> (i32, i32, i32) {
    %c0_i32 = arith.constant 0 : i32
    %c0_i32_0 = arith.constant 0 : i32
    %c0_i32_1 = arith.constant 0 : i32
    return %arg0, %c0_i32, %c0_i32_0 : i32, i32, i32
  }
  func.func @transform_4(%arg0: i32) -> (i32, i32, i32) {
    %c0_i32 = arith.constant 0 : i32
    %c0_i32_0 = arith.constant 0 : i32
    %c0_i32_1 = arith.constant 0 : i32
    return %arg0, %c0_i32, %c0_i32_0 : i32, i32, i32
  }
  func.func @transform_5(%arg0: i32) -> (i32, i32, i32) {
    %c0_i32 = arith.constant 0 : i32
    %c0_i32_0 = arith.constant 0 : i32
    %c0_i32_1 = arith.constant 0 : i32
    return %arg0, %c0_i32, %c0_i32_0 : i32, i32, i32
  }
  func.func @transform_6(%arg0: i32) -> (i32, i32, i32) {
    %c0_i32 = arith.constant 0 : i32
    %c0_i32_0 = arith.constant 0 : i32
    %c0_i32_1 = arith.constant 0 : i32
    return %arg0, %c0_i32, %c0_i32_0 : i32, i32, i32
  }
}

</mosaic_0001>

<sc_bundles>
// kernel: sparse-core-data-format-call.cloned.1.call-start
scs
called_computation_lowered:
.L_overlay_start_0:
0x0: {  	s1 =	sld [smem:$0x3FD9]  }
0x1: {  	s2 =	sld [smem:$0x3FFE];
	_ =	sdelay $0x1  }
0x2: {  	s3 =	srdreg.scid  }
0x3: {  	s0 =	sand.u32 $0x1, s3  }
0x4: {  	s17 =	sshll.u32 s0, $0xA;
	s1 =	sadd.s32 s2, s1  }
0x5: {  	s1 =	sadd.s32 s1, s17  }
0x6: {  	[smem:$0x3FC3] =	sst s1  }
0x7: {  	_ = 	snop  }
0x8: {  	(tm) =	ssettm $0x1  }
0x9: {  	s18 =	sld [smem:$0x3FFB];
	_ =	sdelay $0x3  }
0xa: {  	_ =	strace s18  }
0xb: {  	s1 =	sld [smem:$0x3FFC];
	_ =	sdelay $0x3  }
0xc: {  	_ =	strace s1  }
0xd: {  	s1 =	sld [smem:$0x3FFD];
	_ =	sdelay $0x3  }
0xe: {  	_ =	strace s1  }
0xf: {  	_ =	strace $0x8FFFFFFF  }
0x10: {  	s19 =	sld [smem:$0x3FDB];
	_ =	sdelay $0x1  }
0x11: {  	s20 =	simm.s32 $_scs_section_size  }
0x12: {  	s4 =	simm.s32 $_size__tile_overlayer_lowered;
	s5 =	simm.s32 $_tile_overlayer_lowered  }
0x13: {  	s23 =	simm.s32 $0x1BFF;
	s22 =	sshll.u32 s5, $0x1;
	s1 =	sadd.s32 s20, s19  }
0x14: {  	s6 =	simm.s32 $0x0;
	s21 =	sshll.u32 s4, $0x1;
	s4 =	sadd.s32 s22, s1  }
0x15: {  	[timem:s6], [sflag:s23] =	dma.local [hbm:s4], s21  }
0x16: {  	_ =	swait.ge [sflag:s23], s21  }
0x17: {  	s2 =	ssub.s32 $0x0, s21;
	[sflag:s23] =	ssyncset.done $0x0  }
0x18: {  	[sflag:s23] =	ssyncadd.s32 s2;
	_ =	sdelay $0x1  }
0x19: {  	s24 =	simm.s32 $0x1B8B  }
0x1a: {  	_ =	swait.ge [sflag:s24], $0x1  }
0x1b: {  	[sflag:s24] =	ssyncset.done $0x0  }
0x1c: {  	s26 =	simm.s32 $0x1B8E;
	s25 =	sld [smem:$0x3FFE];
	[sflag:s24] =	ssyncadd.s32 $0xFFFFFFFF  }
0x1d: {  	s27 =	simm.s32 $execute0_lowered;
	[smem:$0x3FD2] =	sst s26  }
0x1e: {  	s4 =	sshll.u32 s27, $0x1;
	_ =	strace $0x80000046;
	[dreg:$0x1] =	wrdreg $0xFFFFFFFF  }
0x1f: {  	s28 =	simm.s32 $_size_execute0_lowered;
	s1 =	sadd.s32 s1, s4;
	[dreg:$0x0] =	wrdreg $0x0  }
0x20: {  	s4 =	sshll.u32 s28, $0x1;
	[dreg:$0x2] =	wrdreg s1  }
0x21: {  	[dreg:$0x3] =	wrdreg s4  }
0x22: {  	[dreg:$0x4] =	wrdreg $0xC0  }
0x23: {  	_ =	task [dreg:s6], $0x5FFFF  }
0x24: {  	[dreg:$0x1] =	wrdreg $0xFFFFFFFF  }
0x25: {  	[dreg:$0x0] =	wrdreg $0x60  }
0x26: {  	[dreg:$0x2] =	wrdreg s25  }
0x27: {  	[dreg:$0x3] =	wrdreg $0x9  }
0x28: {  	_ =	task.clear_ibuf [dreg:s6], $0x4FFFF;
	_ =	strace $0x90000046  }
0x29: {  	s29 =	simm.s32 $0x9;
	_ =	strace $0x80000048  }
0x2a: {  	_ =	swait.ge [sflag:s29], $0x1  }
0x2b: {  	[sflag:s29] =	ssyncadd.s32 $0xFFFFFFFF  }
0x2c: {  	_ =	strace $0x90000048  }
0x2d: {  	_ =	sfence  }
0x2e: {  	s30 =	sld [smem:$0x0];
	_ =	sdelay $0x2  }
0x2f: {  	s31 =	sshll.u32 s3, $0xD;
	s3 =	sshrl.u32 s3, $0x2  }
0x30: {  	s2 =	sand.u32 $0x4000, s31;
	s1 =	sadd.s32 s3, s30  }
0x31: {  	s0 =	sor.u32 s2, s0;
	s1 =	sshll.u32 s1, $0x11  }
0x32: {  	s0 =	sor.u32 s1, s0  }
0x33: {  	s0 =	sadd.s32 $0x8F2B, s0  }
0x34: {  	[sflag:s0] =	ssyncadd.remote.s32 $0x1  }
0x35: {  	_ =	sfence.sel $0xFFFF  }
0x36: {  	[dreg:$0x0] =	wrdreg $0xFFFFFFFF;
	(pc) =	sbr.abs _section_cstart, $3  }
0x37: {  	[dreg:$0x1] =	wrdreg $0xFFFFFFFF  }
0x38: {  	_ =	task.clear_ibuf [dreg:s6], $0x2FFFF;
	_ =	strace $0x9FFFFFFF  }
0x39: {  	(tm) =	ssettm $0x7FFFFFFF  }
tec
execute0_lowered:
.L_overlay_start_1:
0x0: {  	(tag) =	ssettag $0x1  }
0x1: {  	s1 =	rddreg [dreg:$0x0]  }
0x2: {  	s0 =	rddreg [dreg:$0x1];
	_ =	strace $0x80000047  }
0x3: {  	s4 =	srdreg.scid;
	s6 =	simm.s32 $0x2;
	s10 =	simm.s32 $0x0  }
.Ltmp0:
0x4: {  	p0 =	por $0x0, $0x0;
	s7 =	simm.s32 $0x20000;
	(pc) =	sbr.rel .LBB1_1-.Ltmp0, $4  }
0x5: {  	s2 =	sadd.s32 $0x188A00, s1;
	s3 =	sadd.s32 $0x328A00, s1;
	s4 =	sshll.u32 s4, $0x4  }
0x6: {  	s1 =	stileid.u32;
	s5 =	sand.u32 $0x10, s4;
	s4 =	simm.s32 $0x1  }
0x7: {  	s8 =	simm.s32 $0x0;
	s5 =	sor.u32 s1, s5;
	[sflag:s4] =	ssyncpa.u1 $0x0  }
0x8: {  	[sflag:s6] =	ssyncpa.u1 $0x0;
	s6 =	simm.s32 $0x80;
	s9 =	smov.u32 s5  }
.LBB1_5:
0x9: {  	s12 =	sadd.s32 $0x20, s9  }
0xa: {  	p1 =	slt.u32 s8, $0x2;
	s8 =	sadd.s32 $0x1, s8;
	p2 =	sgt.s32 s12, $0x3FF  }
0xb: {  	s12 =	smov.u32 @p2 s5;
	p2 =	sne.s32 s8, $0x22  }
.Ltmp1:
0xc: {  	_ = 	snop;
	(pc) =	sbr.rel @!p2 .LBB1_6-.Ltmp1, $4  }
0xd: {  	s11 =	simm.s32 @!p1 $0x2  }
0xe: {  	_ =	swait.ge @!p1 [sflag:s11], $0x4000  }
0xf: {  	s10 =	smov.u32 s9;
	[sflag:s11] =	ssyncset.done @!p1 $0x0  }
0x10: {  	p0 =	por !p0, !p0;
	s9 =	smov.u32 s12;
	[sflag:s11] =	ssyncadd.s32 @!p1 $0xFFFFC000  }
.LBB1_1:
0x11: {  	p1 =	sgt.u32 s8, $0x1F  }
0x12: {  	p2 =	sgt.s32 @!p1 s9, $0x3FF  }
0x13: {  	s11 =	smov.u32 s9;
	s12 =	sshra.s32 @!p1 s9, $0x1F;
	p2 =	por !p2, p1  }
0x14: {  	s12 =	sand.u32 @!p1 s12, s9;
	s11 =	simm.s32 @p2 $0x3FF  }
0x15: {  	s11 =	ssub.s32 @!p1 s11, s12  }
0x16: {  	s12 =	ssub.s32 @!p1 $0x400, s11  }
0x17: {  	s13 =	sxor.u32 @!p1 $0xFFFFFFFF, s8;
	s11 =	sadd.s32 @!p1 $0xFFFFFC01, s11;
	s12 =	smul.u32 @!p1 $0xD000, s12  }
0x18: {  	s14 =	simm.s32 @!p1 $0x0;
	p2 =	sgt.s32 @!p1 s11, $0x0;
	s11 =	smul.u32 @!p1 $0x680, s9  }
0x19: {  	s13 =	sshll.u32 @!p1 s13, $0xE;
	p2 =	por !p2, p1;
	s12 =	sshrl.u32 @!p1 s12, $0x2  }
0x1a: {  	s13 =	sand.u32 @!p1 $0x4000, s13;
	s11 =	sadd.s32 @!p1 s2, s11;
	s12 =	simm.s32 @!p2 $0x0  }
0x1b: {  	[tilespmem:s13], [sflag:$0x1] =	stream.linear.gather @!p1 [hbm4b:s11+s14], s12, $0x38;
	[tilespmem:$0x10100] =	vst v63  }
0x1c: {  	p1 =	seq.s32 s8, $0x0  }
0x1d: {  	p2 =	seq.s32 @!p1 s8, $0x21  }
0x1e: {  	p1 =	por p1, p2  }
.Ltmp2:
0x1f: {  	_ = 	snop;
	(pc) =	sbr.rel @p1 .LBB1_5-.Ltmp2, $1  }
0x20: {  	_ =	sdelay $0x3  }
0x21: {  	p1 =	sgt.s32 s10, $0x3FF;
	s11 =	smov.u32 s10;
	s12 =	sshra.s32 s10, $0x1F  }
0x22: {  	s11 =	simm.s32 @!p1 $0x3FF;
	s12 =	sand.u32 s12, s10  }
0x23: {  	s11 =	ssub.s32 s11, s12  }
0x24: {  	s12 =	ssub.s32 $0x400, s11  }
0x25: {  	s12 =	smul.u32 $0xD000, s12  }
0x26: {  	s11 =	sadd.s32 $0xFFFFFC01, s11  }
0x27: {  	p1 =	sgt.s32 s11, $0x0;
	s11 =	sshrl.u32 s12, $0x2  }
0x28: {  	s12 =	simm.s32 $0x1;
	s11 =	simm.s32 @p1 $0x0  }
0x29: {  	s12 =	simm.s32 @!p0 $0x0;
	_ =	swait.ge [sflag:s4], s11  }
0x2a: {  	s13 =	sshll.u32 s12, $0xE;
	s11 =	ssub.s32 $0x0, s11;
	[sflag:s4] =	ssyncset.done $0x0  }
0x2b: {  	s14 =	sor.u32 $0x40, s13;
	[sflag:s4] =	ssyncadd.s32 s11  }
0x2c: {  	s30 =	smul.u32 $0x10200, s12;
	v0 =	vld [tilespmem:s14+$0x30]  }
0x2d: {  	v3 =	vld [tilespmem:s14+$0xFFFFFFD0]  }
0x2e: {  	s11 =	sshrl.u32 s30, $0x2;
	v4 =	vld [tilespmem:s14+$0xFFFFFFE0]  }
0x2f: {  	s12 =	sor.u32 $0x8000, s11;
	v5 =	vld [tilespmem:s14+$0xFFFFFFF0]  }
0x30: {  	s31 =	sand.u32 $0x1, s8;
	v1 =	vld [tilespmem:s14+$0x0];
	s13 =	sadd.s32 $0x0, s12  }
0x31: {  	s11 =	smul.u32 $0x10200, s31;
	v2 =	vld [tilespmem:s14+$0x10];
	[tilespmem:s13+$0x3870 ss:$0x81] =	vst.msk $0xffff, v0  }
0x32: {  	[tilespmem:s13+$0x810 ss:$0x81] =	vst.msk $0xffff, v3;
	v3 =	vld [tilespmem:s14+$0x20]  }
0x33: {  	s11 =	sshrl.u32 s11, $0x2;
	v0 =	vld [tilespmem:s14+$0xFFFFFFC0];
	[tilespmem:s13+$0x1020 ss:$0x81] =	vst.msk $0xffff, v4;
	s14 =	sadd.s32 $0x80, s14  }
0x34: {  	s15 =	simm.s32 $0x4;
	s16 =	simm.s32 $0x8;
	s11 =	sor.u32 $0x8000, s11;
	[tilespmem:s13+$0x1830 ss:$0x81] =	vst.msk $0xffff, v5;
	v4 =	vld [tilespmem:s14+$0x30]  }
.LBB1_3:
0x35: {  	p1 =	sne.s32 s16, $0x1FC;
	v5 =	vld [tilespmem:s14+$0xFFFFFFD0];
	[tilespmem:s13+$0x2040 ss:$0x81] =	vst.msk $0xffff, v1  }
0x36: {  	v6 =	vld [tilespmem:s14+$0xFFFFFFE0];
	[tilespmem:s13+$0x2850 ss:$0x81] =	vst.msk $0xffff, v2  }
0x37: {  	s17 =	sshra.s32 s15, $0x2;
	s15 =	smov.u32 s16;
	v7 =	vld [tilespmem:s14+$0xFFFFFFF0];
	[tilespmem:s13+$0x3060 ss:$0x81] =	vst.msk $0xffff, v3  }
.Ltmp3:
0x38: {  	v1 =	vld [tilespmem:s14+$0x0];
	[tilespmem:s13+$0x0 ss:$0x81] =	vst.msk $0xffff, v0;
	s13 =	sadd.s32 s17, s12;
	(pc) =	sbr.rel @p1 .LBB1_3-.Ltmp3, $4  }
0x39: {  	v2 =	vld [tilespmem:s14+$0x10];
	[tilespmem:s13+$0x3870 ss:$0x81] =	vst.msk $0xffff, v4  }
0x3a: {  	[tilespmem:s13+$0x810 ss:$0x81] =	vst.msk $0xffff, v5;
	v3 =	vld [tilespmem:s14+$0x20]  }
0x3b: {  	v0 =	vld [tilespmem:s14+$0xFFFFFFC0];
	[tilespmem:s13+$0x1020 ss:$0x81] =	vst.msk $0xffff, v6;
	s14 =	sadd.s32 $0x80, s14  }
0x3c: {  	s16 =	sadd.s32 $0x4, s16;
	v4 =	vld [tilespmem:s14+$0x30];
	[tilespmem:s13+$0x1830 ss:$0x81] =	vst.msk $0xffff, v7  }
0x3d: {  	v5 =	vld [tilespmem:s14+$0xFFFFFFD0];
	[tilespmem:s13+$0x2040 ss:$0x81] =	vst.msk $0xffff, v1  }
0x3e: {  	v58 =	vld [tilespmem:s14+$0xFFFFFFE0];
	[tilespmem:s13+$0x2850 ss:$0x81] =	vst.msk $0xffff, v2  }
0x3f: {  	s15 =	sshra.s32 s15, $0x2;
	v59 =	vld [tilespmem:s14+$0xFFFFFFF0];
	[tilespmem:s13+$0x3060 ss:$0x81] =	vst.msk $0xffff, v3  }
0x40: {  	v60 =	vld [tilespmem:s14+$0x0];
	s12 =	sadd.s32 s15, s12;
	[tilespmem:s13+$0x0 ss:$0x81] =	vst.msk $0xffff, v0  }
0x41: {  	v61 =	vld [tilespmem:s14+$0x10];
	[tilespmem:s12+$0x3870 ss:$0x81] =	vst.msk $0xffff, v4  }
0x42: {  	v62 =	vld [tilespmem:s14+$0x20];
	[tilespmem:s12+$0x810 ss:$0x81] =	vst.msk $0xffff, v5  }
0x43: {  	v63 =	vld [tilespmem:s14+$0xFFFFFFC0];
	[tilespmem:s12+$0x1020 ss:$0x81] =	vst.msk $0xffff, v58  }
0x44: {  	[tilespmem:s12+$0x1830 ss:$0x81] =	vst.msk $0xffff, v59  }
.Ltmp4:
0x45: {  	[tilespmem:s12+$0x2040 ss:$0x81] =	vst.msk $0xffff, v60;
	(pc) =	sbr.rel .LBB1_5-.Ltmp4, $4  }
0x46: {  	s10 =	sshll.u32 s10, $0x4;
	[tilespmem:s12+$0x2850 ss:$0x81] =	vst.msk $0xffff, v61  }
0x47: {  	s10 =	sand.u32 $0x3FF0, s10;
	[tilespmem:s12+$0x3060 ss:$0x81] =	vst.msk $0xffff, v62  }
0x48: {  	s10 =	sadd.s32 s3, s10;
	[tilespmem:s12+$0x0 ss:$0x81] =	vst.msk $0xffff, v63  }
0x49: {  	[hbm4b:s10+s6] =	stream.strided.scatter [tilespmem:s11], [sflag:$0x2], $0x4000, s7, s6, $0x20;
	[tilespmem:$0x10100] =	vst v63  }
.LBB1_6:
0x4a: {  	_ =	sfence.sel $0x180000  }
0x4b: {  	s2 =	simm.s32 $0x1;
	[bflag:$0x0] =	sbarrier.arrive $0xFFFF  }
0x4c: {  	s31 =	simm.s32 $0x2;
	[sflag:s2] =	ssyncpa.u1 $0x1  }
0x4d: {  	[sflag:s31] =	ssyncpa.u1 $0x1  }
0x4e: {  	p0 =	sne.s32 s1, $0x0;
	_ =	strace $0x90000047  }
0x4f: {  	s0 =	sadd.s32 @!p0 $0x100000, s0;
	[bflag:$0x2] =	sbarrier.arrive $0xFFFF  }
0x50: {  	[sflag:s0] =	ssyncadd.tile.s32 @!p0 $0x1;
	_ =	shalt  }
.Lfunc_end1:
_tile_overlayer_lowered:
.L_overlay_start_2:
0x51: {  	(tag) =	ssettag $0x2  }
0x52: {  	s0 =	rddreg [dreg:$0x0];
	s2 =	stileid.u32  }
0x53: {  	s1 =	rddreg [dreg:$0x1];
	p0 =	sne.s32 s2, $0x0  }
0x54: {  	s3 =	rddreg [dreg:$0x2];
	[bflag:$0x3] =	sbarrier.arrive $0xFFFF;
	s2 =	simm.s32 @!p0 $0x1C01  }
0x55: {  	[timem:s3], [sflag:s2] =	dma.local @!p0 [hbm:s0], s1  }
0x56: {  	s0 =	simm.s32 @!p0 $0x1  }
0x57: {  	_ =	swait.ge @!p0 [sflag:s0], s1  }
0x58: {  	s1 =	ssub.s32 @!p0 $0x0, s1;
	[sflag:s0] =	ssyncset.done @!p0 $0x0  }
0x59: {  	[sflag:s0] =	ssyncadd.s32 @!p0 s1  }
0x5a: {  	[bflag:$0x3] =	sbarrier.arrive $0xFFFF  }
0x5b: {  	_ =	shalt  }

</sc_bundles>
